<compile_context>
chip_gen: v7x
topology: tpu7x:2x2x1
jax: 0.10.2.dev20260603
libtpu: 0.0.44.dev20260713+nightly
codegen_flags: <defaults>
</compile_context>

<pallas_src>
import functools

import jax
import jax.numpy as jnp
from jax import lax
from jax.experimental import pallas as pl
from jax.experimental.pallas import tpu as pltpu
from jax.experimental.pallas import tpu_sc as plsc

B = 64
N_NODES = 2048
MAX_NODE_COUNT = 4096
VOCAB = 128

_NUM_CORES = 2
_NUM_SUBCORES = 16
_NUM_WORKERS = _NUM_CORES * _NUM_SUBCORES
_B_PER_WORKER = B // _NUM_WORKERS
_LANES = 16

_GATHER_DNUMS = lax.GatherDimensionNumbers(
    offset_dims=(), collapsed_slice_dims=(0,), start_index_map=(0,)
)


def _winners_body(
    idx_hbm, tags_hbm, out_hbm,
    idx0, idx1, tag0, tag1, win0, win1,
    s0, s1, s2, s3, so0, so1,
):
    wid = lax.axis_index("s") * _NUM_CORES + lax.axis_index("c")
    lane = lax.iota(jnp.int32, _LANES)
    succ = jnp.minimum(lane + 1, _LANES - 1)
    last_lane = lane == (_LANES - 1)
    empty = jnp.full((_LANES,), -1, jnp.int32)

    b0 = wid * _B_PER_WORKER
    cp = [
        pltpu.async_copy(idx_hbm.at[b0], idx0, s0),
        pltpu.async_copy(tags_hbm.at[b0], tag0, s1),
        pltpu.async_copy(idx_hbm.at[b0 + 1], idx1, s2),
        pltpu.async_copy(tags_hbm.at[b0 + 1], tag1, s3),
    ]
    def _init(i, carry):
        win0[pl.ds(i * _LANES, _LANES)] = empty
        win1[pl.ds(i * _LANES, _LANES)] = empty
        return carry

    lax.fori_loop(0, MAX_NODE_COUNT // _LANES, _init, 0, unroll=8)

    for c in cp:
        c.wait()

    def _scatter_one(i, idx_v, tags_v, win_v):
        idx = idx_v[pl.ds(i * _LANES, _LANES)]
        tag = tags_v[pl.ds(i * _LANES, _LANES)]
        key = idx * _LANES + lane
        skey, stag = plsc.sort_key_val(key, tag)
        sidx = lax.shift_right_logical(skey, 4)
        nxt = lax.gather(
            sidx,
            succ[:, None],
            _GATHER_DNUMS,
            slice_sizes=(1,),
            mode=lax.GatherScatterMode.PROMISE_IN_BOUNDS,
        )
        win = (sidx != nxt) | last_lane
        plsc.store_scatter(win_v, [sidx], stag, mask=win)

    def _scatter(i, carry):
        _scatter_one(i, idx0, tag0, win0)
        _scatter_one(i, idx1, tag1, win1)
        return carry

    lax.fori_loop(0, N_NODES // _LANES, _scatter, 0, unroll=2)
    c0 = pltpu.async_copy(win0, out_hbm.at[b0], so0)
    c1 = pltpu.async_copy(win1, out_hbm.at[b0 + 1], so1)
    c0.wait()
    c1.wait()


def _winners(node_indices, tag_ids):
    mesh = plsc.VectorSubcoreMesh(core_axis_name="c", subcore_axis_name="s")
    f = functools.partial(
        pl.kernel,
        mesh=mesh,
        out_type=jax.ShapeDtypeStruct((B, MAX_NODE_COUNT), jnp.int32),
        scratch_types=[
            pltpu.VMEM((N_NODES,), jnp.int32),
            pltpu.VMEM((N_NODES,), jnp.int32),
            pltpu.VMEM((N_NODES,), jnp.int32),
            pltpu.VMEM((N_NODES,), jnp.int32),
            pltpu.VMEM((MAX_NODE_COUNT,), jnp.int32),
            pltpu.VMEM((MAX_NODE_COUNT,), jnp.int32),
            pltpu.SemaphoreType.DMA,
            pltpu.SemaphoreType.DMA,
            pltpu.SemaphoreType.DMA,
            pltpu.SemaphoreType.DMA,
            pltpu.SemaphoreType.DMA,
            pltpu.SemaphoreType.DMA,
        ],
        compiler_params=pltpu.CompilerParams(needs_layout_passes=False),
    )(_winners_body)
    return f(node_indices, tag_ids)


_S = 4096
_BT = 4


def _expand_body(win_ref, out_ref):
    w = win_ref[:, 0, :]
    v = lax.broadcasted_iota(jnp.int32, (_BT, _S, VOCAB), 2)
    out_ref[...] = (w[:, :, None] == v).astype(jnp.float32)


def _expand(winners):
    win3 = winners.reshape(B, 1, _S)
    return pl.pallas_call(
        _expand_body,
        grid=(B // _BT,),
        in_specs=[pl.BlockSpec((_BT, 1, _S), lambda b: (b, 0, 0))],
        out_specs=pl.BlockSpec((_BT, _S, VOCAB), lambda b: (b, 0, 0)),
        out_shape=jax.ShapeDtypeStruct((B, MAX_NODE_COUNT, VOCAB), jnp.float32),
        compiler_params=pltpu.CompilerParams(
            dimension_semantics=("parallel",)
        ),
    )(win3)


def kernel(mem, node_indices, tag_ids):
    del mem
    winners = _winners(node_indices, tag_ids)
    return _expand(winners)

# --- scband reference (transcript-rebuilt; emitter-appended) ---
"""Pipeline reference for scband-tag-encoder-38525856645681 (READ-ONLY COPY).

The authoritative reference and input builder live on the scoring server;
editing this copy changes nothing except your own understanding.
"""

import jax, jax.numpy as jnp
import numpy as np

B = 64
N_NODES = 2048
MAX_NODE_COUNT = 4096
VOCAB = 128


def setup_inputs(seed: int = 0) -> dict:
    key = jax.random.key(seed)
    k1, k2 = jax.random.split(key)
    # Tensorized stand-ins for (node2Index, xmlTreeList, tagsVocab.stoi):
    #   node_indices[b, i] = node2Index[node_i] for the i-th node of tree b
    #   tag_ids[b, i]      = tagsVocab.stoi[node_i.tag]
    mem = jnp.zeros((B, MAX_NODE_COUNT, VOCAB), dtype=jnp.float32)
    node_indices = jax.random.randint(k1, (B, N_NODES), 0, MAX_NODE_COUNT, dtype=jnp.int64 if jax.config.jax_enable_x64 else jnp.int32).astype(jnp.int32)
    tag_ids = jax.random.randint(k2, (B, N_NODES), 0, VOCAB).astype(jnp.int32)
    return {"mem": mem, "node_indices": node_indices, "tag_ids": tag_ids}


def reference(mem, node_indices, tag_ids):
    # Original: retval = zeros(B, max_node_count, V);
    #           retval[b, node2Index[node]] = onehot(stoi[node.tag])
    # Faithful vectorization: scatter-overwrite one-hot rows into the zero memory.
    V = mem.shape[-1]
    onehot = jax.nn.one_hot(tag_ids, V, dtype=mem.dtype)  # [B, N, V]
    b_idx = jnp.broadcast_to(jnp.arange(mem.shape[0])[:, None], node_indices.shape)
    out = mem.at[b_idx, node_indices].set(onehot)
    return out


if False:  # reference __main__ guard neutralized (emitter)
    inp = setup_inputs()
    out = reference(**inp)
    print(out.shape, out.dtype)

if __name__ == "__main__":
    import jax
    _d = setup_inputs()
    print(jax.jit(kernel)(*tuple(_d.values())))

</pallas_src>

<mosaic_0001>
#map = affine_map<(d0, d1) -> (0, 0)>
module attributes {stable_mosaic.version = 14 : i64} {
  func.func @_winners_body(%arg0: i32, %arg1: i32, %arg2: memref<64x2048xi32, #tpu.memory_space<hbm>>, %arg3: memref<64x2048xi32, #tpu.memory_space<hbm>>, %arg4: memref<64x4096xi32, #tpu.memory_space<hbm>>, %arg5: memref<2048xi32, #tpu.memory_space<vmem>>, %arg6: memref<2048xi32, #tpu.memory_space<vmem>>, %arg7: memref<2048xi32, #tpu.memory_space<vmem>>, %arg8: memref<2048xi32, #tpu.memory_space<vmem>>, %arg9: memref<4096xi32, #tpu.memory_space<vmem>>, %arg10: memref<4096xi32, #tpu.memory_space<vmem>>, %arg11: memref<!tpu.dma_semaphore, #tpu.memory_space<semaphore_mem>>, %arg12: memref<!tpu.dma_semaphore, #tpu.memory_space<semaphore_mem>>, %arg13: memref<!tpu.dma_semaphore, #tpu.memory_space<semaphore_mem>>, %arg14: memref<!tpu.dma_semaphore, #tpu.memory_space<semaphore_mem>>, %arg15: memref<!tpu.dma_semaphore, #tpu.memory_space<semaphore_mem>>, %arg16: memref<!tpu.dma_semaphore, #tpu.memory_space<semaphore_mem>>) attributes {dimension_semantics = [#tpu.dimension_semantics<core_parallel>, #tpu.dimension_semantics<subcore_parallel>], iteration_bounds = array<i64: 2, 16>, scalar_prefetch = 0 : i64, scratch_operands = 12 : i64, tpu.core_type = #tpu.core_type<sc_vector_subcore>, window_params = [{transform_indices = #map}, {transform_indices = #map}, {transform_indices = #map}]} {
    %mul3A = arith.constant 2 : i32
    %mul3A_0 = arith.muli %arg1, %mul3A : i32
    %add3A = arith.addi %mul3A_0, %arg0 : i32
    %iota3A = tpu.iota {dimensions = array<i32: 0>} : vector<16xi32>
    %add3A_1 = arith.constant 1 : i32
    %add3A_2 = vector.broadcast %add3A_1 : i32 to vector<16xi32>
    %add3A_3 = arith.addi %iota3A, %add3A_2 : vector<16xi32>
    %min3A = arith.constant 15 : i32
    %min3A_4 = vector.broadcast %min3A : i32 to vector<16xi32>
    %min3A_5 = arith.minsi %add3A_3, %min3A_4 : vector<16xi32>
    %eq3A = arith.constant 15 : i32
    %eq3A_6 = vector.broadcast %eq3A : i32 to vector<16xi32>
    %eq3A_7 = arith.cmpi eq, %iota3A, %eq3A_6 : vector<16xi32>
    %broadcast_in_dim3A = arith.constant -1 : i32
    %broadcast_in_dim3A_8 = vector.broadcast %broadcast_in_dim3A : i32 to vector<16xi32>
    %mul3A_9 = arith.constant 2 : i32
    %mul3A_10 = arith.muli %add3A, %mul3A_9 : i32
    %dma_start3A = arith.constant 0 : i32
    %dma_start3A_11 = tpu.memref_slice %arg2[%mul3A_10, %dma_start3A] : memref<64x2048xi32, #tpu.memory_space<hbm>> -> memref<1x2048xi32, #tpu.memory_space<hbm>>
    %dma_start3A_12 = tpu.memref_squeeze %dma_start3A_11 : memref<1x2048xi32, #tpu.memory_space<hbm>> -> memref<2048xi32, #tpu.memory_space<hbm>>
    %dma_start3A_13 = arith.constant 0 : i32
    %dma_start3A_14 = tpu.memref_slice %arg2[%mul3A_10, %dma_start3A_13] : memref<64x2048xi32, #tpu.memory_space<hbm>> -> memref<1x2048xi32, #tpu.memory_space<hbm>>
    %dma_start3A_15 = tpu.memref_squeeze %dma_start3A_14 : memref<1x2048xi32, #tpu.memory_space<hbm>> -> memref<2048xi32, #tpu.memory_space<hbm>>
    tpu.enqueue_dma source(%dma_start3A_15 : memref<2048xi32, #tpu.memory_space<hbm>>) target(%arg5 : memref<2048xi32, #tpu.memory_space<vmem>>) target_semaphore(%arg11 : memref<!tpu.dma_semaphore, #tpu.memory_space<semaphore_mem>>)
    %dma_start3A_16 = arith.constant 0 : i32
    %dma_start3A_17 = tpu.memref_slice %arg3[%mul3A_10, %dma_start3A_16] : memref<64x2048xi32, #tpu.memory_space<hbm>> -> memref<1x2048xi32, #tpu.memory_space<hbm>>
    %dma_start3A_18 = tpu.memref_squeeze %dma_start3A_17 : memref<1x2048xi32, #tpu.memory_space<hbm>> -> memref<2048xi32, #tpu.memory_space<hbm>>
    %dma_start3A_19 = arith.constant 0 : i32
    %dma_start3A_20 = tpu.memref_slice %arg3[%mul3A_10, %dma_start3A_19] : memref<64x2048xi32, #tpu.memory_space<hbm>> -> memref<1x2048xi32, #tpu.memory_space<hbm>>
    %dma_start3A_21 = tpu.memref_squeeze %dma_start3A_20 : memref<1x2048xi32, #tpu.memory_space<hbm>> -> memref<2048xi32, #tpu.memory_space<hbm>>
    tpu.enqueue_dma source(%dma_start3A_21 : memref<2048xi32, #tpu.memory_space<hbm>>) target(%arg7 : memref<2048xi32, #tpu.memory_space<vmem>>) target_semaphore(%arg12 : memref<!tpu.dma_semaphore, #tpu.memory_space<semaphore_mem>>)
    %add3A_22 = arith.constant 1 : i32
    %add3A_23 = arith.addi %mul3A_10, %add3A_22 : i32
    %dma_start3A_24 = arith.constant 0 : i32
    %dma_start3A_25 = tpu.memref_slice %arg2[%add3A_23, %dma_start3A_24] : memref<64x2048xi32, #tpu.memory_space<hbm>> -> memref<1x2048xi32, #tpu.memory_space<hbm>>
    %dma_start3A_26 = tpu.memref_squeeze %dma_start3A_25 : memref<1x2048xi32, #tpu.memory_space<hbm>> -> memref<2048xi32, #tpu.memory_space<hbm>>
    %dma_start3A_27 = arith.constant 0 : i32
    %dma_start3A_28 = tpu.memref_slice %arg2[%add3A_23, %dma_start3A_27] : memref<64x2048xi32, #tpu.memory_space<hbm>> -> memref<1x2048xi32, #tpu.memory_space<hbm>>
    %dma_start3A_29 = tpu.memref_squeeze %dma_start3A_28 : memref<1x2048xi32, #tpu.memory_space<hbm>> -> memref<2048xi32, #tpu.memory_space<hbm>>
    tpu.enqueue_dma source(%dma_start3A_29 : memref<2048xi32, #tpu.memory_space<hbm>>) target(%arg6 : memref<2048xi32, #tpu.memory_space<vmem>>) target_semaphore(%arg13 : memref<!tpu.dma_semaphore, #tpu.memory_space<semaphore_mem>>)
    %add3A_30 = arith.constant 1 : i32
    %add3A_31 = arith.addi %mul3A_10, %add3A_30 : i32
    %dma_start3A_32 = arith.constant 0 : i32
    %dma_start3A_33 = tpu.memref_slice %arg3[%add3A_31, %dma_start3A_32] : memref<64x2048xi32, #tpu.memory_space<hbm>> -> memref<1x2048xi32, #tpu.memory_space<hbm>>
    %dma_start3A_34 = tpu.memref_squeeze %dma_start3A_33 : memref<1x2048xi32, #tpu.memory_space<hbm>> -> memref<2048xi32, #tpu.memory_space<hbm>>
    %dma_start3A_35 = arith.constant 0 : i32
    %dma_start3A_36 = tpu.memref_slice %arg3[%add3A_31, %dma_start3A_35] : memref<64x2048xi32, #tpu.memory_space<hbm>> -> memref<1x2048xi32, #tpu.memory_space<hbm>>
    %dma_start3A_37 = tpu.memref_squeeze %dma_start3A_36 : memref<1x2048xi32, #tpu.memory_space<hbm>> -> memref<2048xi32, #tpu.memory_space<hbm>>
    tpu.enqueue_dma source(%dma_start3A_37 : memref<2048xi32, #tpu.memory_space<hbm>>) target(%arg8 : memref<2048xi32, #tpu.memory_space<vmem>>) target_semaphore(%arg14 : memref<!tpu.dma_semaphore, #tpu.memory_space<semaphore_mem>>)
    %scan3A = arith.constant 0 : i32
    %scan3A_38 = arith.constant 0 : i32
    %scan3A_39 = arith.constant 256 : i32
    %scan3A_40 = arith.addi %scan3A_38, %scan3A_39 : i32
    %scan3A_41 = arith.constant 8 : i32
    scf.for %scan3A_98 = %scan3A_38 to %scan3A_40 step %scan3A_41  : i32 {
      %mul3A_99 = arith.constant 16 : i32
      %mul3A_100 = arith.muli %scan3A_98, %mul3A_99 : i32
      %swap3A = arith.index_cast %mul3A_100 : i32 to index
      %swap3A_101 = tpu.vector_load %arg9[%swap3A] {strides = array<i32>} : memref<4096xi32, #tpu.memory_space<vmem>>, vector<16xi32>,
      tpu.vector_store %arg9[%swap3A], %broadcast_in_dim3A_8 {strides = array<i32>} : memref<4096xi32, #tpu.memory_space<vmem>>, vector<16xi32>,
      %mul3A_102 = arith.constant 16 : i32
      %mul3A_103 = arith.muli %scan3A_98, %mul3A_102 : i32
      %swap3A_104 = arith.index_cast %mul3A_103 : i32 to index
      %swap3A_105 = tpu.vector_load %arg10[%swap3A_104] {strides = array<i32>} : memref<4096xi32, #tpu.memory_space<vmem>>, vector<16xi32>,
      tpu.vector_store %arg10[%swap3A_104], %broadcast_in_dim3A_8 {strides = array<i32>} : memref<4096xi32, #tpu.memory_space<vmem>>, vector<16xi32>,
      %scan3A_106 = arith.constant 1 : i32
      %scan3A_107 = arith.addi %scan3A_98, %scan3A_106 : i32
      %mul3A_108 = arith.constant 16 : i32
      %mul3A_109 = arith.muli %scan3A_107, %mul3A_108 : i32
      %swap3A_110 = arith.index_cast %mul3A_109 : i32 to index
      %swap3A_111 = tpu.vector_load %arg9[%swap3A_110] {strides = array<i32>} : memref<4096xi32, #tpu.memory_space<vmem>>, vector<16xi32>,
      tpu.vector_store %arg9[%swap3A_110], %broadcast_in_dim3A_8 {strides = array<i32>} : memref<4096xi32, #tpu.memory_space<vmem>>, vector<16xi32>,
      %mul3A_112 = arith.constant 16 : i32
      %mul3A_113 = arith.muli %scan3A_107, %mul3A_112 : i32
      %swap3A_114 = arith.index_cast %mul3A_113 : i32 to index
      %swap3A_115 = tpu.vector_load %arg10[%swap3A_114] {strides = array<i32>} : memref<4096xi32, #tpu.memory_space<vmem>>, vector<16xi32>,
      tpu.vector_store %arg10[%swap3A_114], %broadcast_in_dim3A_8 {strides = array<i32>} : memref<4096xi32, #tpu.memory_space<vmem>>, vector<16xi32>,
      %scan3A_116 = arith.constant 2 : i32
      %scan3A_117 = arith.addi %scan3A_98, %scan3A_116 : i32
      %mul3A_118 = arith.constant 16 : i32
      %mul3A_119 = arith.muli %scan3A_117, %mul3A_118 : i32
      %swap3A_120 = arith.index_cast %mul3A_119 : i32 to index
      %swap3A_121 = tpu.vector_load %arg9[%swap3A_120] {strides = array<i32>} : memref<4096xi32, #tpu.memory_space<vmem>>, vector<16xi32>,
      tpu.vector_store %arg9[%swap3A_120], %broadcast_in_dim3A_8 {strides = array<i32>} : memref<4096xi32, #tpu.memory_space<vmem>>, vector<16xi32>,
      %mul3A_122 = arith.constant 16 : i32
      %mul3A_123 = arith.muli %scan3A_117, %mul3A_122 : i32
      %swap3A_124 = arith.index_cast %mul3A_123 : i32 to index
      %swap3A_125 = tpu.vector_load %arg10[%swap3A_124] {strides = array<i32>} : memref<4096xi32, #tpu.memory_space<vmem>>, vector<16xi32>,
      tpu.vector_store %arg10[%swap3A_124], %broadcast_in_dim3A_8 {strides = array<i32>} : memref<4096xi32, #tpu.memory_space<vmem>>, vector<16xi32>,
      %scan3A_126 = arith.constant 3 : i32
      %scan3A_127 = arith.addi %scan3A_98, %scan3A_126 : i32
      %mul3A_128 = arith.constant 16 : i32
      %mul3A_129 = arith.muli %scan3A_127, %mul3A_128 : i32
      %swap3A_130 = arith.index_cast %mul3A_129 : i32 to index
      %swap3A_131 = tpu.vector_load %arg9[%swap3A_130] {strides = array<i32>} : memref<4096xi32, #tpu.memory_space<vmem>>, vector<16xi32>,
      tpu.vector_store %arg9[%swap3A_130], %broadcast_in_dim3A_8 {strides = array<i32>} : memref<4096xi32, #tpu.memory_space<vmem>>, vector<16xi32>,
      %mul3A_132 = arith.constant 16 : i32
      %mul3A_133 = arith.muli %scan3A_127, %mul3A_132 : i32
      %swap3A_134 = arith.index_cast %mul3A_133 : i32 to index
      %swap3A_135 = tpu.vector_load %arg10[%swap3A_134] {strides = array<i32>} : memref<4096xi32, #tpu.memory_space<vmem>>, vector<16xi32>,
      tpu.vector_store %arg10[%swap3A_134], %broadcast_in_dim3A_8 {strides = array<i32>} : memref<4096xi32, #tpu.memory_space<vmem>>, vector<16xi32>,
      %scan3A_136 = arith.constant 4 : i32
      %scan3A_137 = arith.addi %scan3A_98, %scan3A_136 : i32
      %mul3A_138 = arith.constant 16 : i32
      %mul3A_139 = arith.muli %scan3A_137, %mul3A_138 : i32
      %swap3A_140 = arith.index_cast %mul3A_139 : i32 to index
      %swap3A_141 = tpu.vector_load %arg9[%swap3A_140] {strides = array<i32>} : memref<4096xi32, #tpu.memory_space<vmem>>, vector<16xi32>,
      tpu.vector_store %arg9[%swap3A_140], %broadcast_in_dim3A_8 {strides = array<i32>} : memref<4096xi32, #tpu.memory_space<vmem>>, vector<16xi32>,
      %mul3A_142 = arith.constant 16 : i32
      %mul3A_143 = arith.muli %scan3A_137, %mul3A_142 : i32
      %swap3A_144 = arith.index_cast %mul3A_143 : i32 to index
      %swap3A_145 = tpu.vector_load %arg10[%swap3A_144] {strides = array<i32>} : memref<4096xi32, #tpu.memory_space<vmem>>, vector<16xi32>,
      tpu.vector_store %arg10[%swap3A_144], %broadcast_in_dim3A_8 {strides = array<i32>} : memref<4096xi32, #tpu.memory_space<vmem>>, vector<16xi32>,
      %scan3A_146 = arith.constant 5 : i32
      %scan3A_147 = arith.addi %scan3A_98, %scan3A_146 : i32
      %mul3A_148 = arith.constant 16 : i32
      %mul3A_149 = arith.muli %scan3A_147, %mul3A_148 : i32
      %swap3A_150 = arith.index_cast %mul3A_149 : i32 to index
      %swap3A_151 = tpu.vector_load %arg9[%swap3A_150] {strides = array<i32>} : memref<4096xi32, #tpu.memory_space<vmem>>, vector<16xi32>,
      tpu.vector_store %arg9[%swap3A_150], %broadcast_in_dim3A_8 {strides = array<i32>} : memref<4096xi32, #tpu.memory_space<vmem>>, vector<16xi32>,
      %mul3A_152 = arith.constant 16 : i32
      %mul3A_153 = arith.muli %scan3A_147, %mul3A_152 : i32
      %swap3A_154 = arith.index_cast %mul3A_153 : i32 to index
      %swap3A_155 = tpu.vector_load %arg10[%swap3A_154] {strides = array<i32>} : memref<4096xi32, #tpu.memory_space<vmem>>, vector<16xi32>,
      tpu.vector_store %arg10[%swap3A_154], %broadcast_in_dim3A_8 {strides = array<i32>} : memref<4096xi32, #tpu.memory_space<vmem>>, vector<16xi32>,
      %scan3A_156 = arith.constant 6 : i32
      %scan3A_157 = arith.addi %scan3A_98, %scan3A_156 : i32
      %mul3A_158 = arith.constant 16 : i32
      %mul3A_159 = arith.muli %scan3A_157, %mul3A_158 : i32
      %swap3A_160 = arith.index_cast %mul3A_159 : i32 to index
      %swap3A_161 = tpu.vector_load %arg9[%swap3A_160] {strides = array<i32>} : memref<4096xi32, #tpu.memory_space<vmem>>, vector<16xi32>,
      tpu.vector_store %arg9[%swap3A_160], %broadcast_in_dim3A_8 {strides = array<i32>} : memref<4096xi32, #tpu.memory_space<vmem>>, vector<16xi32>,
      %mul3A_162 = arith.constant 16 : i32
      %mul3A_163 = arith.muli %scan3A_157, %mul3A_162 : i32
      %swap3A_164 = arith.index_cast %mul3A_163 : i32 to index
      %swap3A_165 = tpu.vector_load %arg10[%swap3A_164] {strides = array<i32>} : memref<4096xi32, #tpu.memory_space<vmem>>, vector<16xi32>,
      tpu.vector_store %arg10[%swap3A_164], %broadcast_in_dim3A_8 {strides = array<i32>} : memref<4096xi32, #tpu.memory_space<vmem>>, vector<16xi32>,
      %scan3A_166 = arith.constant 7 : i32
      %scan3A_167 = arith.addi %scan3A_98, %scan3A_166 : i32
      %mul3A_168 = arith.constant 16 : i32
      %mul3A_169 = arith.muli %scan3A_167, %mul3A_168 : i32
      %swap3A_170 = arith.index_cast %mul3A_169 : i32 to index
      %swap3A_171 = tpu.vector_load %arg9[%swap3A_170] {strides = array<i32>} : memref<4096xi32, #tpu.memory_space<vmem>>, vector<16xi32>,
      tpu.vector_store %arg9[%swap3A_170], %broadcast_in_dim3A_8 {strides = array<i32>} : memref<4096xi32, #tpu.memory_space<vmem>>, vector<16xi32>,
      %mul3A_172 = arith.constant 16 : i32
      %mul3A_173 = arith.muli %scan3A_167, %mul3A_172 : i32
      %swap3A_174 = arith.index_cast %mul3A_173 : i32 to index
      %swap3A_175 = tpu.vector_load %arg10[%swap3A_174] {strides = array<i32>} : memref<4096xi32, #tpu.memory_space<vmem>>, vector<16xi32>,
      tpu.vector_store %arg10[%swap3A_174], %broadcast_in_dim3A_8 {strides = array<i32>} : memref<4096xi32, #tpu.memory_space<vmem>>, vector<16xi32>,
    }
    %scan3A_42 = arith.constant 256 : i32
    %dma_wait3A = arith.constant 0 : i32
    %dma_wait3A_43 = tpu.memref_slice %arg2[%mul3A_10, %dma_wait3A] : memref<64x2048xi32, #tpu.memory_space<hbm>> -> memref<1x2048xi32, #tpu.memory_space<hbm>>
    %dma_wait3A_44 = tpu.memref_squeeze %dma_wait3A_43 : memref<1x2048xi32, #tpu.memory_space<hbm>> -> memref<2048xi32, #tpu.memory_space<hbm>>
    %dma_wait3A_45 = arith.constant 0 : i32
    %dma_wait3A_46 = tpu.memref_slice %arg2[%mul3A_10, %dma_wait3A_45] : memref<64x2048xi32, #tpu.memory_space<hbm>> -> memref<1x2048xi32, #tpu.memory_space<hbm>>
    %dma_wait3A_47 = tpu.memref_squeeze %dma_wait3A_46 : memref<1x2048xi32, #tpu.memory_space<hbm>> -> memref<2048xi32, #tpu.memory_space<hbm>>
    tpu.wait_dma2 semaphore(%arg11 : memref<!tpu.dma_semaphore, #tpu.memory_space<semaphore_mem>>) src(%dma_wait3A_47 : memref<2048xi32, #tpu.memory_space<hbm>>) dst(%arg5 : memref<2048xi32, #tpu.memory_space<vmem>>)
    %dma_wait3A_48 = arith.constant 0 : i32
    %dma_wait3A_49 = tpu.memref_slice %arg3[%mul3A_10, %dma_wait3A_48] : memref<64x2048xi32, #tpu.memory_space<hbm>> -> memref<1x2048xi32, #tpu.memory_space<hbm>>
    %dma_wait3A_50 = tpu.memref_squeeze %dma_wait3A_49 : memref<1x2048xi32, #tpu.memory_space<hbm>> -> memref<2048xi32, #tpu.memory_space<hbm>>
    %dma_wait3A_51 = arith.constant 0 : i32
    %dma_wait3A_52 = tpu.memref_slice %arg3[%mul3A_10, %dma_wait3A_51] : memref<64x2048xi32, #tpu.memory_space<hbm>> -> memref<1x2048xi32, #tpu.memory_space<hbm>>
    %dma_wait3A_53 = tpu.memref_squeeze %dma_wait3A_52 : memref<1x2048xi32, #tpu.memory_space<hbm>> -> memref<2048xi32, #tpu.memory_space<hbm>>
    tpu.wait_dma2 semaphore(%arg12 : memref<!tpu.dma_semaphore, #tpu.memory_space<semaphore_mem>>) src(%dma_wait3A_53 : memref<2048xi32, #tpu.memory_space<hbm>>) dst(%arg7 : memref<2048xi32, #tpu.memory_space<vmem>>)
    %dma_wait3A_54 = arith.constant 0 : i32
    %dma_wait3A_55 = tpu.memref_slice %arg2[%add3A_23, %dma_wait3A_54] : memref<64x2048xi32, #tpu.memory_space<hbm>> -> memref<1x2048xi32, #tpu.memory_space<hbm>>
    %dma_wait3A_56 = tpu.memref_squeeze %dma_wait3A_55 : memref<1x2048xi32, #tpu.memory_space<hbm>> -> memref<2048xi32, #tpu.memory_space<hbm>>
    %dma_wait3A_57 = arith.constant 0 : i32
    %dma_wait3A_58 = tpu.memref_slice %arg2[%add3A_23, %dma_wait3A_57] : memref<64x2048xi32, #tpu.memory_space<hbm>> -> memref<1x2048xi32, #tpu.memory_space<hbm>>
    %dma_wait3A_59 = tpu.memref_squeeze %dma_wait3A_58 : memref<1x2048xi32, #tpu.memory_space<hbm>> -> memref<2048xi32, #tpu.memory_space<hbm>>
    tpu.wait_dma2 semaphore(%arg13 : memref<!tpu.dma_semaphore, #tpu.memory_space<semaphore_mem>>) src(%dma_wait3A_59 : memref<2048xi32, #tpu.memory_space<hbm>>) dst(%arg6 : memref<2048xi32, #tpu.memory_space<vmem>>)
    %dma_wait3A_60 = arith.constant 0 : i32
    %dma_wait3A_61 = tpu.memref_slice %arg3[%add3A_31, %dma_wait3A_60] : memref<64x2048xi32, #tpu.memory_space<hbm>> -> memref<1x2048xi32, #tpu.memory_space<hbm>>
    %dma_wait3A_62 = tpu.memref_squeeze %dma_wait3A_61 : memref<1x2048xi32, #tpu.memory_space<hbm>> -> memref<2048xi32, #tpu.memory_space<hbm>>
    %dma_wait3A_63 = arith.constant 0 : i32
    %dma_wait3A_64 = tpu.memref_slice %arg3[%add3A_31, %dma_wait3A_63] : memref<64x2048xi32, #tpu.memory_space<hbm>> -> memref<1x2048xi32, #tpu.memory_space<hbm>>
    %dma_wait3A_65 = tpu.memref_squeeze %dma_wait3A_64 : memref<1x2048xi32, #tpu.memory_space<hbm>> -> memref<2048xi32, #tpu.memory_space<hbm>>
    tpu.wait_dma2 semaphore(%arg14 : memref<!tpu.dma_semaphore, #tpu.memory_space<semaphore_mem>>) src(%dma_wait3A_65 : memref<2048xi32, #tpu.memory_space<hbm>>) dst(%arg8 : memref<2048xi32, #tpu.memory_space<vmem>>)
    %scan3A_66 = arith.constant 0 : i32
    %scan3A_67 = arith.constant 0 : i32
    %scan3A_68 = arith.constant 128 : i32
    %scan3A_69 = arith.addi %scan3A_67, %scan3A_68 : i32
    %scan3A_70 = arith.constant 2 : i32
    scf.for %scan3A_98 = %scan3A_67 to %scan3A_69 step %scan3A_70  : i32 {
      %mul3A_99 = arith.constant 16 : i32
      %mul3A_100 = arith.muli %scan3A_98, %mul3A_99 : i32
      %get3A = arith.index_cast %mul3A_100 : i32 to index
      %get3A_101 = tpu.vector_load %arg5[%get3A] {strides = array<i32>} : memref<2048xi32, #tpu.memory_space<vmem>>, vector<16xi32>,
      %mul3A_102 = arith.constant 16 : i32
      %mul3A_103 = arith.muli %scan3A_98, %mul3A_102 : i32
      %get3A_104 = arith.index_cast %mul3A_103 : i32 to index
      %get3A_105 = tpu.vector_load %arg7[%get3A_104] {strides = array<i32>} : memref<2048xi32, #tpu.memory_space<vmem>>, vector<16xi32>,
      %mul3A_106 = arith.constant 16 : i32
      %mul3A_107 = vector.broadcast %mul3A_106 : i32 to vector<16xi32>
      %mul3A_108 = arith.muli %get3A_101, %mul3A_107 : vector<16xi32>
      %add3A_109 = arith.addi %mul3A_108, %iota3A : vector<16xi32>
      %masked_sort3A = arith.constant dense<true> : vector<16xi1>
      %masked_sort3A_110 = arith.constant -2147483648 : i32
      %masked_sort3A_111 = vector.broadcast %masked_sort3A_110 : i32 to vector<16xi32>
      %masked_sort3A_112 = arith.xori %add3A_109, %masked_sort3A_111 : vector<16xi32>
      %masked_sort3A_113, %masked_sort3A_114, %masked_sort3A_115 = tpu.sort %masked_sort3A_112, %get3A_105 masked %masked_sort3A : (vector<16xi32>, vector<16xi32>, vector<16xi1>) -> (vector<16xi1>, vector<16xi32>, vector<16xi32>)
      %masked_sort3A_116 = arith.xori %masked_sort3A_114, %masked_sort3A_111 : vector<16xi32>
      %shift_right_logical3A = arith.constant 4 : i32
      %shift_right_logical3A_117 = vector.broadcast %shift_right_logical3A : i32 to vector<16xi32>
      %shift_right_logical3A_118 = arith.shrui %masked_sort3A_116, %shift_right_logical3A_117 : vector<16xi32>
      %broadcast_in_dim3A_119 = vector.shape_cast %min3A_5 : vector<16xi32> to vector<16x1xi32>
      %gather3A = vector.shape_cast %broadcast_in_dim3A_119 : vector<16x1xi32> to vector<16xi32>
      %gather3A_120 = tpu.dynamic_gather %shift_right_logical3A_118[%gather3A] in [0] : vector<16xi32>, vector<16xi32> -> vector<16xi32>
      %ne3A = arith.cmpi ne, %shift_right_logical3A_118, %gather3A_120 : vector<16xi32>
      %or3A = arith.ori %ne3A, %eq3A_7 : vector<16xi1>
      tpu.vector_store_idx %arg9[%shift_right_logical3A_118], %masked_sort3A_115 masked %or3A : memref<4096xi32, #tpu.memory_space<vmem>>[vector<16xi32>], vector<16xi32>, vector<16xi1>
      %mul3A_121 = arith.constant 16 : i32
      %mul3A_122 = arith.muli %scan3A_98, %mul3A_121 : i32
      %get3A_123 = arith.index_cast %mul3A_122 : i32 to index
      %get3A_124 = tpu.vector_load %arg6[%get3A_123] {strides = array<i32>} : memref<2048xi32, #tpu.memory_space<vmem>>, vector<16xi32>,
      %mul3A_125 = arith.constant 16 : i32
      %mul3A_126 = arith.muli %scan3A_98, %mul3A_125 : i32
      %get3A_127 = arith.index_cast %mul3A_126 : i32 to index
      %get3A_128 = tpu.vector_load %arg8[%get3A_127] {strides = array<i32>} : memref<2048xi32, #tpu.memory_space<vmem>>, vector<16xi32>,
      %mul3A_129 = arith.constant 16 : i32
      %mul3A_130 = vector.broadcast %mul3A_129 : i32 to vector<16xi32>
      %mul3A_131 = arith.muli %get3A_124, %mul3A_130 : vector<16xi32>
      %add3A_132 = arith.addi %mul3A_131, %iota3A : vector<16xi32>
      %masked_sort3A_133 = arith.constant dense<true> : vector<16xi1>
      %masked_sort3A_134 = arith.constant -2147483648 : i32
      %masked_sort3A_135 = vector.broadcast %masked_sort3A_134 : i32 to vector<16xi32>
      %masked_sort3A_136 = arith.xori %add3A_132, %masked_sort3A_135 : vector<16xi32>
      %masked_sort3A_137, %masked_sort3A_138, %masked_sort3A_139 = tpu.sort %masked_sort3A_136, %get3A_128 masked %masked_sort3A_133 : (vector<16xi32>, vector<16xi32>, vector<16xi1>) -> (vector<16xi1>, vector<16xi32>, vector<16xi32>)
      %masked_sort3A_140 = arith.xori %masked_sort3A_138, %masked_sort3A_135 : vector<16xi32>
      %shift_right_logical3A_141 = arith.constant 4 : i32
      %shift_right_logical3A_142 = vector.broadcast %shift_right_logical3A_141 : i32 to vector<16xi32>
      %shift_right_logical3A_143 = arith.shrui %masked_sort3A_140, %shift_right_logical3A_142 : vector<16xi32>
      %broadcast_in_dim3A_144 = vector.shape_cast %min3A_5 : vector<16xi32> to vector<16x1xi32>
      %gather3A_145 = vector.shape_cast %broadcast_in_dim3A_144 : vector<16x1xi32> to vector<16xi32>
      %gather3A_146 = tpu.dynamic_gather %shift_right_logical3A_143[%gather3A_145] in [0] : vector<16xi32>, vector<16xi32> -> vector<16xi32>
      %ne3A_147 = arith.cmpi ne, %shift_right_logical3A_143, %gather3A_146 : vector<16xi32>
      %or3A_148 = arith.ori %ne3A_147, %eq3A_7 : vector<16xi1>
      tpu.vector_store_idx %arg10[%shift_right_logical3A_143], %masked_sort3A_139 masked %or3A_148 : memref<4096xi32, #tpu.memory_space<vmem>>[vector<16xi32>], vector<16xi32>, vector<16xi1>
      %scan3A_149 = arith.constant 1 : i32
      %scan3A_150 = arith.addi %scan3A_98, %scan3A_149 : i32
      %mul3A_151 = arith.constant 16 : i32
      %mul3A_152 = arith.muli %scan3A_150, %mul3A_151 : i32
      %get3A_153 = arith.index_cast %mul3A_152 : i32 to index
      %get3A_154 = tpu.vector_load %arg5[%get3A_153] {strides = array<i32>} : memref<2048xi32, #tpu.memory_space<vmem>>, vector<16xi32>,
      %mul3A_155 = arith.constant 16 : i32
      %mul3A_156 = arith.muli %scan3A_150, %mul3A_155 : i32
      %get3A_157 = arith.index_cast %mul3A_156 : i32 to index
      %get3A_158 = tpu.vector_load %arg7[%get3A_157] {strides = array<i32>} : memref<2048xi32, #tpu.memory_space<vmem>>, vector<16xi32>,
      %mul3A_159 = arith.constant 16 : i32
      %mul3A_160 = vector.broadcast %mul3A_159 : i32 to vector<16xi32>
      %mul3A_161 = arith.muli %get3A_154, %mul3A_160 : vector<16xi32>
      %add3A_162 = arith.addi %mul3A_161, %iota3A : vector<16xi32>
      %masked_sort3A_163 = arith.constant dense<true> : vector<16xi1>
      %masked_sort3A_164 = arith.constant -2147483648 : i32
      %masked_sort3A_165 = vector.broadcast %masked_sort3A_164 : i32 to vector<16xi32>
      %masked_sort3A_166 = arith.xori %add3A_162, %masked_sort3A_165 : vector<16xi32>
      %masked_sort3A_167, %masked_sort3A_168, %masked_sort3A_169 = tpu.sort %masked_sort3A_166, %get3A_158 masked %masked_sort3A_163 : (vector<16xi32>, vector<16xi32>, vector<16xi1>) -> (vector<16xi1>, vector<16xi32>, vector<16xi32>)
      %masked_sort3A_170 = arith.xori %masked_sort3A_168, %masked_sort3A_165 : vector<16xi32>
      %shift_right_logical3A_171 = arith.constant 4 : i32
      %shift_right_logical3A_172 = vector.broadcast %shift_right_logical3A_171 : i32 to vector<16xi32>
      %shift_right_logical3A_173 = arith.shrui %masked_sort3A_170, %shift_right_logical3A_172 : vector<16xi32>
      %broadcast_in_dim3A_174 = vector.shape_cast %min3A_5 : vector<16xi32> to vector<16x1xi32>
      %gather3A_175 = vector.shape_cast %broadcast_in_dim3A_174 : vector<16x1xi32> to vector<16xi32>
      %gather3A_176 = tpu.dynamic_gather %shift_right_logical3A_173[%gather3A_175] in [0] : vector<16xi32>, vector<16xi32> -> vector<16xi32>
      %ne3A_177 = arith.cmpi ne, %shift_right_logical3A_173, %gather3A_176 : vector<16xi32>
      %or3A_178 = arith.ori %ne3A_177, %eq3A_7 : vector<16xi1>
      tpu.vector_store_idx %arg9[%shift_right_logical3A_173], %masked_sort3A_169 masked %or3A_178 : memref<4096xi32, #tpu.memory_space<vmem>>[vector<16xi32>], vector<16xi32>, vector<16xi1>
      %mul3A_179 = arith.constant 16 : i32
      %mul3A_180 = arith.muli %scan3A_150, %mul3A_179 : i32
      %get3A_181 = arith.index_cast %mul3A_180 : i32 to index
      %get3A_182 = tpu.vector_load %arg6[%get3A_181] {strides = array<i32>} : memref<2048xi32, #tpu.memory_space<vmem>>, vector<16xi32>,
      %mul3A_183 = arith.constant 16 : i32
      %mul3A_184 = arith.muli %scan3A_150, %mul3A_183 : i32
      %get3A_185 = arith.index_cast %mul3A_184 : i32 to index
      %get3A_186 = tpu.vector_load %arg8[%get3A_185] {strides = array<i32>} : memref<2048xi32, #tpu.memory_space<vmem>>, vector<16xi32>,
      %mul3A_187 = arith.constant 16 : i32
      %mul3A_188 = vector.broadcast %mul3A_187 : i32 to vector<16xi32>
      %mul3A_189 = arith.muli %get3A_182, %mul3A_188 : vector<16xi32>
      %add3A_190 = arith.addi %mul3A_189, %iota3A : vector<16xi32>
      %masked_sort3A_191 = arith.constant dense<true> : vector<16xi1>
      %masked_sort3A_192 = arith.constant -2147483648 : i32
      %masked_sort3A_193 = vector.broadcast %masked_sort3A_192 : i32 to vector<16xi32>
      %masked_sort3A_194 = arith.xori %add3A_190, %masked_sort3A_193 : vector<16xi32>
      %masked_sort3A_195, %masked_sort3A_196, %masked_sort3A_197 = tpu.sort %masked_sort3A_194, %get3A_186 masked %masked_sort3A_191 : (vector<16xi32>, vector<16xi32>, vector<16xi1>) -> (vector<16xi1>, vector<16xi32>, vector<16xi32>)
      %masked_sort3A_198 = arith.xori %masked_sort3A_196, %masked_sort3A_193 : vector<16xi32>
      %shift_right_logical3A_199 = arith.constant 4 : i32
      %shift_right_logical3A_200 = vector.broadcast %shift_right_logical3A_199 : i32 to vector<16xi32>
      %shift_right_logical3A_201 = arith.shrui %masked_sort3A_198, %shift_right_logical3A_200 : vector<16xi32>
      %broadcast_in_dim3A_202 = vector.shape_cast %min3A_5 : vector<16xi32> to vector<16x1xi32>
      %gather3A_203 = vector.shape_cast %broadcast_in_dim3A_202 : vector<16x1xi32> to vector<16xi32>
      %gather3A_204 = tpu.dynamic_gather %shift_right_logical3A_201[%gather3A_203] in [0] : vector<16xi32>, vector<16xi32> -> vector<16xi32>
      %ne3A_205 = arith.cmpi ne, %shift_right_logical3A_201, %gather3A_204 : vector<16xi32>
      %or3A_206 = arith.ori %ne3A_205, %eq3A_7 : vector<16xi1>
      tpu.vector_store_idx %arg10[%shift_right_logical3A_201], %masked_sort3A_197 masked %or3A_206 : memref<4096xi32, #tpu.memory_space<vmem>>[vector<16xi32>], vector<16xi32>, vector<16xi1>
    }
    %scan3A_71 = arith.constant 128 : i32
    %dma_start3A_72 = arith.constant 0 : i32
    %dma_start3A_73 = tpu.memref_slice %arg4[%mul3A_10, %dma_start3A_72] : memref<64x4096xi32, #tpu.memory_space<hbm>> -> memref<1x4096xi32, #tpu.memory_space<hbm>>
    %dma_start3A_74 = tpu.memref_squeeze %dma_start3A_73 : memref<1x4096xi32, #tpu.memory_space<hbm>> -> memref<4096xi32, #tpu.memory_space<hbm>>
    %dma_start3A_75 = arith.constant 0 : i32
    %dma_start3A_76 = tpu.memref_slice %arg4[%mul3A_10, %dma_start3A_75] : memref<64x4096xi32, #tpu.memory_space<hbm>> -> memref<1x4096xi32, #tpu.memory_space<hbm>>
    %dma_start3A_77 = tpu.memref_squeeze %dma_start3A_76 : memref<1x4096xi32, #tpu.memory_space<hbm>> -> memref<4096xi32, #tpu.memory_space<hbm>>
    tpu.enqueue_dma source(%arg9 : memref<4096xi32, #tpu.memory_space<vmem>>) target(%dma_start3A_77 : memref<4096xi32, #tpu.memory_space<hbm>>) target_semaphore(%arg15 : memref<!tpu.dma_semaphore, #tpu.memory_space<semaphore_mem>>)
    %add3A_78 = arith.constant 1 : i32
    %add3A_79 = arith.addi %mul3A_10, %add3A_78 : i32
    %dma_start3A_80 = arith.constant 0 : i32
    %dma_start3A_81 = tpu.memref_slice %arg4[%add3A_79, %dma_start3A_80] : memref<64x4096xi32, #tpu.memory_space<hbm>> -> memref<1x4096xi32, #tpu.memory_space<hbm>>
    %dma_start3A_82 = tpu.memref_squeeze %dma_start3A_81 : memref<1x4096xi32, #tpu.memory_space<hbm>> -> memref<4096xi32, #tpu.memory_space<hbm>>
    %dma_start3A_83 = arith.constant 0 : i32
    %dma_start3A_84 = tpu.memref_slice %arg4[%add3A_79, %dma_start3A_83] : memref<64x4096xi32, #tpu.memory_space<hbm>> -> memref<1x4096xi32, #tpu.memory_space<hbm>>
    %dma_start3A_85 = tpu.memref_squeeze %dma_start3A_84 : memref<1x4096xi32, #tpu.memory_space<hbm>> -> memref<4096xi32, #tpu.memory_space<hbm>>
    tpu.enqueue_dma source(%arg10 : memref<4096xi32, #tpu.memory_space<vmem>>) target(%dma_start3A_85 : memref<4096xi32, #tpu.memory_space<hbm>>) target_semaphore(%arg16 : memref<!tpu.dma_semaphore, #tpu.memory_space<semaphore_mem>>)
    %dma_wait3A_86 = arith.constant 0 : i32
    %dma_wait3A_87 = tpu.memref_slice %arg4[%mul3A_10, %dma_wait3A_86] : memref<64x4096xi32, #tpu.memory_space<hbm>> -> memref<1x4096xi32, #tpu.memory_space<hbm>>
    %dma_wait3A_88 = tpu.memref_squeeze %dma_wait3A_87 : memref<1x4096xi32, #tpu.memory_space<hbm>> -> memref<4096xi32, #tpu.memory_space<hbm>>
    %dma_wait3A_89 = arith.constant 0 : i32
    %dma_wait3A_90 = tpu.memref_slice %arg4[%mul3A_10, %dma_wait3A_89] : memref<64x4096xi32, #tpu.memory_space<hbm>> -> memref<1x4096xi32, #tpu.memory_space<hbm>>
    %dma_wait3A_91 = tpu.memref_squeeze %dma_wait3A_90 : memref<1x4096xi32, #tpu.memory_space<hbm>> -> memref<4096xi32, #tpu.memory_space<hbm>>
    tpu.wait_dma2 semaphore(%arg15 : memref<!tpu.dma_semaphore, #tpu.memory_space<semaphore_mem>>) src(%arg9 : memref<4096xi32, #tpu.memory_space<vmem>>) dst(%dma_wait3A_91 : memref<4096xi32, #tpu.memory_space<hbm>>)
    %dma_wait3A_92 = arith.constant 0 : i32
    %dma_wait3A_93 = tpu.memref_slice %arg4[%add3A_79, %dma_wait3A_92] : memref<64x4096xi32, #tpu.memory_space<hbm>> -> memref<1x4096xi32, #tpu.memory_space<hbm>>
    %dma_wait3A_94 = tpu.memref_squeeze %dma_wait3A_93 : memref<1x4096xi32, #tpu.memory_space<hbm>> -> memref<4096xi32, #tpu.memory_space<hbm>>
    %dma_wait3A_95 = arith.constant 0 : i32
    %dma_wait3A_96 = tpu.memref_slice %arg4[%add3A_79, %dma_wait3A_95] : memref<64x4096xi32, #tpu.memory_space<hbm>> -> memref<1x4096xi32, #tpu.memory_space<hbm>>
    %dma_wait3A_97 = tpu.memref_squeeze %dma_wait3A_96 : memref<1x4096xi32, #tpu.memory_space<hbm>> -> memref<4096xi32, #tpu.memory_space<hbm>>
    tpu.wait_dma2 semaphore(%arg16 : memref<!tpu.dma_semaphore, #tpu.memory_space<semaphore_mem>>) src(%arg10 : memref<4096xi32, #tpu.memory_space<vmem>>) dst(%dma_wait3A_97 : memref<4096xi32, #tpu.memory_space<hbm>>)
    return
  }
}

module attributes {stable_mosaic.version = 14 : i64} {
  func.func @_expand_body(%arg0: i32, %arg1: memref<4x1x4096xi32, #tpu.memory_space<vmem>>, %arg2: memref<4x4096x128xf32, #tpu.memory_space<vmem>>) attributes {dimension_semantics = [#tpu.dimension_semantics<parallel>], iteration_bounds = array<i64: 16>, scalar_prefetch = 0 : i64, scratch_operands = 0 : i64, tpu.core_type = #tpu.core_type<tc>, window_params = [{transform_indices = @transform_0, window_bounds = array<i64: 4, 1, 4096>}, {transform_indices = @transform_1, window_bounds = array<i64: 4, 4096, 128>}]} {
    %get3A = arith.constant 0 : index
    %get3A_0 = arith.constant 0 : index
    %get3A_1 = arith.constant 0 : index
    %get3A_2 = vector.load %arg1[%get3A, %get3A_0, %get3A_1] : memref<4x1x4096xi32, #tpu.memory_space<vmem>>, vector<4x1x4096xi32>
    %get3A_3 = vector.shape_cast %get3A_2 : vector<4x1x4096xi32> to vector<4x4096xi32>
    %iota3A = tpu.iota {dimensions = array<i32: 2>} : vector<4x4096x128xi32>
    %broadcast_in_dim3A = vector.shape_cast %get3A_3 : vector<4x4096xi32> to vector<4x4096x1xi32>
    %eq3A = vector.broadcast %broadcast_in_dim3A : vector<4x4096x1xi32> to vector<4x4096x128xi32>
    %eq3A_4 = arith.cmpi eq, %eq3A, %iota3A : vector<4x4096x128xi32>
    %convert_element_type3A = arith.extui %eq3A_4 : vector<4x4096x128xi1> to vector<4x4096x128xi32>
    %convert_element_type3A_5 = arith.sitofp %convert_element_type3A : vector<4x4096x128xi32> to vector<4x4096x128xf32>
    %swap3A = arith.constant 0 : index
    %swap3A_6 = arith.constant 0 : index
    %swap3A_7 = arith.constant 0 : index
    %swap3A_8 = vector.load %arg2[%swap3A, %swap3A_6, %swap3A_7] : memref<4x4096x128xf32, #tpu.memory_space<vmem>>, vector<4x4096x128xf32>
    tpu.vector_store %arg2[%swap3A, %swap3A_6, %swap3A_7], %convert_element_type3A_5 {strides = array<i32>} : memref<4x4096x128xf32, #tpu.memory_space<vmem>>, vector<4x4096x128xf32>,
    return
  }
  func.func @transform_0(%arg0: i32) -> (i32, i32, i32) {
    %c0_i32 = arith.constant 0 : i32
    %c0_i32_0 = arith.constant 0 : i32
    %c0_i32_1 = arith.constant 0 : i32
    return %arg0, %c0_i32, %c0_i32_0 : i32, i32, i32
  }
  func.func @transform_1(%arg0: i32) -> (i32, i32, i32) {
    %c0_i32 = arith.constant 0 : i32
    %c0_i32_0 = arith.constant 0 : i32
    %c0_i32_1 = arith.constant 0 : i32
    return %arg0, %c0_i32, %c0_i32_0 : i32, i32, i32
  }
}

</mosaic_0001>

<sc_bundles>
// kernel: kernel.4.cloned.1.call-start
scs
__scs_entry_jumppad:
0x0: {  	(pc) =	sbr.rel $0x88, $3  }
0x1: {  	(tag) =	ssettag $0x0;
	lr =	simm.s32 $0x1  }
0x2: {  	[smem:$0x3F9F] =	sst lr;
	_ =	strace $0xD0000000  }
0x3: {  	_ = 	snop  }
0x4: {  	_ = 	snop  }
0x5: {  	_ = 	snop  }
0x6: {  	_ = 	snop  }
0x7: {  	_ = 	snop  }
__scs_overlays_trampoline_lowered:
0x8: {  	[smem:$0x3FAE] =	sst s0  }
0x9: {  	[smem:$0x3FAF] =	sst s1  }
0xa: {  	[smem:$0x3FB0] =	sst s2  }
0xb: {  	[smem:$0x3FB1] =	sst s3  }
0xc: {  	[smem:$0x3FB2] =	sst s4  }
0xd: {  	[smem:$0x3FB3] =	sst s5  }
0xe: {  	[smem:$0x3FB4] =	sst s6  }
0xf: {  	[smem:$0x3FB5] =	sst s7  }
0x10: {  	[smem:$0x3FB6] =	sst s8  }
0x11: {  	[smem:$0x3FB7] =	sst s9;
	s0 =	simm.s32 @!p0 $0x0  }
0x12: {  	s1 =	sld [smem:$0x3F9D];
	s0 =	simm.s32 @p0 $0x1  }
0x13: {  	[smem:$0x3FB8] =	sst s0;
	s0 =	simm.s32 @!p1 $0x0  }
0x14: {  	s2 =	sld [smem:$0x3F9C];
	s0 =	simm.s32 @p1 $0x1  }
0x15: {  	[smem:$0x3FB9] =	sst s0;
	s0 =	simm.s32 @!p2 $0x0  }
0x16: {  	s3 =	sld [smem:$0x3FDB];
	s0 =	simm.s32 @p2 $0x1  }
0x17: {  	s4 =	simm.s32 $0x1BF5;
	[smem:$0x3FBB] =	sst s0  }
0x18: {  	s0 =	sld [smem:$0x3F9E];
	_ =	swait.ge [sflag:s4], $0x0  }
0x19: {  	s7 =	sld [smem:$0x3F9F]  }
0x1a: {  	s8 =	sadd.s32 $0xFFFFE003, lr  }
0x1b: {  	s9 =	sadd.s32 $0xFFFFFEF7, lr;
	s5 =	simm.s32 $0xFFFFFFFF;
	p2 =	slt.u32 s8, $0xFFFFF086  }
0x1c: {  	p1 =	slt.u32 s9, $0xF7A;
	s5 =	simm.s32 @!p2 $0x0  }
0x1d: {  	s5 =	simm.s32 @p1 $0x1;
	p0 =	seq.s32 s7, s2  }
0x1e: {  	s7 =	smul.u32 @!p0 $0xF7A, s2;
	p2 =	seq.s32 @!p0 s5, $0x0  }
0x1f: {  	s9 =	smul.u32 $0xF7A, s1;
	s8 =	simm.s32 @!p0 $0x1BF5;
	p2 =	por !p2, p0  }
0x20: {  	[sflag:s8] =	ssyncset.s32 @!p0 $0xFFFFF086;
	s6 =	sadd.s32 @!p0 s3, s7;
	s7 =	simm.s32 @!p0 $0x108  }
0x21: {  	s3 =	sadd.s32 s3, s9;
	s6 =	sadd.s32 @!p0 $0x88, s6;
	s7 =	simm.s32 @p2 $0x1082  }
0x22: {  	[simem:s7], [sflag:s8] =	dma.local @!p0 [hbm:s6], $0xF7A  }
0x23: {  	s9 =	sor.u32 $0xD0000000, s2;
	s6 =	simm.s32 $0x108;
	_ =	swait.ge @!p0 [sflag:s8], $0x0  }
0x24: {  	s3 =	sadd.s32 $0x88, s3;
	s6 =	simm.s32 @!p1 $0x1082;
	[sflag:s4] =	ssyncset.s32 $0xFFFFF086  }
0x25: {  	[simem:s6], [sflag:s4] =	dma.local [hbm:s3], $0xF7A  }
0x26: {  	[smem:$0x3F9F] =	sst s1;
	(tag) =	ssettag s2;
	_ =	strace s9  }
0x27: {  	s1 =	sld [smem:$0x3FAF]  }
0x28: {  	s2 =	sld [smem:$0x3FB0]  }
0x29: {  	s4 =	sld [smem:$0x3FB2]  }
0x2a: {  	p0 =	seq.s32 s5, $0x0;
	s5 =	sld [smem:$0x3FB3]  }
0x2b: {  	s6 =	sld [smem:$0x3FB4]  }
0x2c: {  	s7 =	sld [smem:$0x3FB5]  }
0x2d: {  	s3 =	simm.s32 $0x108;
	s8 =	sld [smem:$0x3FB6]  }
0x2e: {  	s3 =	simm.s32 @!p0 $0x1082;
	s9 =	sld [smem:$0x3FB7]  }
0x2f: {  	lr =	sadd.s32 s0, s3;
	s0 =	sld [smem:$0x3FAE]  }
0x30: {  	s3 =	sld [smem:$0x3FB1]  }
0x31: {  	[smem:$0x3FBA] =	sst s10  }
0x32: {  	s10 =	sld [smem:$0x3FB8];
	_ =	sdelay $0x3  }
0x33: {  	p0 =	seq.s32 s10, $0x1;
	s10 =	sld [smem:$0x3FBA];
	_ =	sdelay $0x3  }
0x34: {  	[smem:$0x3FBA] =	sst s10  }
0x35: {  	s10 =	sld [smem:$0x3FB9];
	_ =	sdelay $0x3  }
0x36: {  	p1 =	seq.s32 s10, $0x1;
	s10 =	sld [smem:$0x3FBA];
	_ =	sdelay $0x3  }
0x37: {  	[smem:$0x3FBA] =	sst s10  }
0x38: {  	s10 =	sld [smem:$0x3FBB]  }
0x39: {  	_ = 	snop;
	(pc) =	sbr.ind lr, $3  }
0x3a: {  	_ = 	snop  }
0x3b: {  	_ = 	snop  }
0x3c: {  	p2 =	seq.s32 s10, $0x1;
	s10 =	sld [smem:$0x3FBA]  }
0x3d: {  	_ =	shalt  }
0x3e: {  	_ =	shalt  }
0x3f: {  	_ =	shalt  }
0x40: {  	_ =	shalt  }
0x41: {  	_ =	shalt  }
0x42: {  	_ =	shalt  }
0x43: {  	_ =	shalt  }
0x44: {  	_ =	shalt  }
0x45: {  	_ =	shalt  }
0x46: {  	_ =	shalt  }
0x47: {  	_ =	shalt  }
0x48: {  	_ =	shalt  }
0x49: {  	_ =	shalt  }
0x4a: {  	_ =	shalt  }
0x4b: {  	_ =	shalt  }
0x4c: {  	_ =	shalt  }
0x4d: {  	_ =	shalt  }
0x4e: {  	_ =	shalt  }
0x4f: {  	_ =	shalt  }
0x50: {  	_ =	shalt  }
0x51: {  	_ =	shalt  }
0x52: {  	_ =	shalt  }
0x53: {  	_ =	shalt  }
0x54: {  	_ =	shalt  }
0x55: {  	_ =	shalt  }
0x56: {  	_ =	shalt  }
0x57: {  	_ =	shalt  }
0x58: {  	_ =	shalt  }
0x59: {  	_ =	shalt  }
0x5a: {  	_ =	shalt  }
0x5b: {  	_ =	shalt  }
0x5c: {  	_ =	shalt  }
0x5d: {  	_ =	shalt  }
0x5e: {  	_ =	shalt  }
0x5f: {  	_ =	shalt  }
0x60: {  	_ =	shalt  }
0x61: {  	_ =	shalt  }
0x62: {  	_ =	shalt  }
0x63: {  	_ =	shalt  }
0x64: {  	_ =	shalt  }
0x65: {  	_ =	shalt  }
0x66: {  	_ =	shalt  }
0x67: {  	_ =	shalt  }
0x68: {  	_ =	shalt  }
0x69: {  	_ =	shalt  }
0x6a: {  	_ =	shalt  }
0x6b: {  	_ =	shalt  }
0x6c: {  	_ =	shalt  }
0x6d: {  	_ =	shalt  }
0x6e: {  	_ =	shalt  }
0x6f: {  	_ =	shalt  }
0x70: {  	_ =	shalt  }
0x71: {  	_ =	shalt  }
0x72: {  	_ =	shalt  }
0x73: {  	_ =	shalt  }
0x74: {  	_ =	shalt  }
0x75: {  	_ =	shalt  }
0x76: {  	_ =	shalt  }
0x77: {  	_ =	shalt  }
0x78: {  	_ =	shalt  }
0x79: {  	_ =	shalt  }
0x7a: {  	_ =	shalt  }
0x7b: {  	_ =	shalt  }
0x7c: {  	_ =	shalt  }
0x7d: {  	_ =	shalt  }
0x7e: {  	_ =	shalt  }
0x7f: {  	_ =	shalt  }
0x80: {  	_ =	shalt  }
0x81: {  	_ =	shalt  }
0x82: {  	_ =	shalt  }
0x83: {  	_ =	shalt  }
0x84: {  	_ =	shalt  }
0x85: {  	_ =	shalt  }
0x86: {  	_ =	shalt  }
0x87: {  	_ =	shalt  }
.Lfunc_end0:
.L_simem_size_0:
called_computation_lowered:
.L_overlay_start_0:
0x88: {  	s2 =	sld [smem:$0x3FD9]  }
0x89: {  	s3 =	sld [smem:$0x3FFE];
	_ =	sdelay $0x1  }
0x8a: {  	s1 =	srdreg.scid  }
0x8b: {  	s0 =	sand.u32 $0x1, s1  }
0x8c: {  	s18 =	sshll.u32 s0, $0xA;
	s2 =	sadd.s32 s3, s2  }
0x8d: {  	s2 =	sadd.s32 s2, s18  }
0x8e: {  	[smem:$0x3FC6] =	sst s2  }
0x8f: {  	_ = 	snop  }
0x90: {  	s2 =	sld [smem:$0x3FC9]  }
0x91: {  	s19 =	sld [smem:$0x3FC8]  }
0x92: {  	s4 =	sld [smem:$0x3FD0];
	(tm) =	ssettm $0x1  }
0x93: {  	s5 =	sld [smem:$0x3FFB];
	_ =	sdelay $0x3  }
0x94: {  	_ =	strace s5  }
0x95: {  	s5 =	sld [smem:$0x3FFC];
	_ =	sdelay $0x3  }
0x96: {  	_ =	strace s5  }
0x97: {  	s5 =	sld [smem:$0x3FFD];
	_ =	sdelay $0x3  }
0x98: {  	_ =	strace s5  }
0x99: {  	_ =	strace $0x8FFFFFFF  }
0x9a: {  	s20 =	sld [smem:$0x3FDB];
	_ =	sdelay $0x1  }
0x9b: {  	s6 =	simm.s32 $_scs_section_size  }
0x9c: {  	s7 =	simm.s32 $_size__tile_overlayer_lowered;
	s8 =	simm.s32 $_tile_overlayer_lowered  }
0x9d: {  	s23 =	simm.s32 $0x1BFF;
	s22 =	sshll.u32 s8, $0x1;
	s5 =	sadd.s32 s6, s20  }
0x9e: {  	s9 =	simm.s32 $0x0;
	s21 =	sshll.u32 s7, $0x1;
	s7 =	sadd.s32 s22, s5  }
0x9f: {  	[timem:s9], [sflag:s23] =	dma.local [hbm:s7], s21  }
0xa0: {  	_ =	swait.ge [sflag:s23], s21  }
0xa1: {  	s6 =	ssub.s32 $0x0, s21;
	[sflag:s23] =	ssyncset.done $0x0  }
0xa2: {  	[sflag:s23] =	ssyncadd.s32 s6;
	_ =	sdelay $0x1  }
0xa3: {  	s24 =	simm.s32 $0x1B8B  }
0xa4: {  	_ =	swait.ge [sflag:s24], $0x1  }
0xa5: {  	[sflag:s24] =	ssyncset.done $0x0  }
0xa6: {  	s25 =	simm.s32 $0x1B8E;
	[sflag:s24] =	ssyncadd.s32 $0xFFFFFFFF  }
0xa7: {  	s26 =	simm.s32 $execute0_lowered;
	[smem:$0x3FD2] =	sst s25  }
0xa8: {  	s6 =	sshll.u32 s26, $0x1;
	_ =	strace $0x80000046;
	[dreg:$0x1] =	wrdreg $0xFFFFFFFF  }
0xa9: {  	s28 =	simm.s32 $_size_execute0_lowered;
	s5 =	sadd.s32 s5, s6;
	[dreg:$0x0] =	wrdreg $0x0  }
0xaa: {  	s6 =	sshll.u32 s28, $0x1;
	[dreg:$0x2] =	wrdreg s5  }
0xab: {  	[dreg:$0x3] =	wrdreg s6  }
0xac: {  	[dreg:$0x4] =	wrdreg $0xC0  }
0xad: {  	_ =	task [dreg:s9], $0x5FFFF  }
0xae: {  	[dreg:$0x1] =	wrdreg $0xFFFFFFFF  }
0xaf: {  	[dreg:$0x0] =	wrdreg $0x60  }
0xb0: {  	[dreg:$0x2] =	wrdreg s2  }
0xb1: {  	[dreg:$0x3] =	wrdreg s19  }
0xb2: {  	[dreg:$0x4] =	wrdreg s4  }
0xb3: {  	[dreg:$0x5] =	wrdreg $0x9  }
0xb4: {  	_ =	task.clear_ibuf [dreg:s9], $0x6FFFF;
	_ =	strace $0x90000046  }
0xb5: {  	s29 =	simm.s32 $0x9;
	_ =	strace $0x80000048  }
0xb6: {  	_ =	swait.ge [sflag:s29], $0x1  }
0xb7: {  	[sflag:s29] =	ssyncadd.s32 $0xFFFFFFFF  }
0xb8: {  	_ =	strace $0x90000048  }
0xb9: {  	_ =	sfence  }
0xba: {  	s30 =	sld [smem:$0x0];
	_ =	sdelay $0x2  }
0xbb: {  	s31 =	sshll.u32 s1, $0xD;
	s1 =	sshrl.u32 s1, $0x2  }
0xbc: {  	s3 =	sand.u32 $0x4000, s31;
	s1 =	sadd.s32 s1, s30  }
0xbd: {  	s0 =	sor.u32 s3, s0;
	s1 =	sshll.u32 s1, $0x11  }
0xbe: {  	s0 =	sor.u32 s1, s0  }
0xbf: {  	s0 =	sadd.s32 $0x8F2B, s0  }
0xc0: {  	[sflag:s0] =	ssyncadd.remote.s32 $0x1  }
0xc1: {  	_ =	sfence.sel $0xFFFF  }
0xc2: {  	[dreg:$0x0] =	wrdreg $0xFFFFFFFF;
	(pc) =	sbr.abs _section_cstart, $3  }
0xc3: {  	[dreg:$0x1] =	wrdreg $0xFFFFFFFF  }
0xc4: {  	_ =	task.clear_ibuf [dreg:s9], $0x2FFFF;
	_ =	strace $0x9FFFFFFF  }
0xc5: {  	(tm) =	ssettm $0x7FFFFFFF  }
tec
execute0_lowered:
.L_overlay_start_1:
0x0: {  	(tag) =	ssettag $0x1  }
0x1: {  	s5 =	rddreg [dreg:$0x0]  }
0x2: {  	s6 =	rddreg [dreg:$0x1]  }
0x3: {  	s8 =	rddreg [dreg:$0x2]  }
0x4: {  	s2 =	srdreg.scid;
	s1 =	stileid.u32  }
0x5: {  	s0 =	rddreg [dreg:$0x3];
	s13 =	simm.s32 $0x800;
	s14 =	simm.s32 $0x1800  }
0x6: {  	s15 =	simm.s32 $0x1;
	s16 =	simm.s32 $0x2;
	s17 =	simm.s32 $0x3  }
0x7: {  	s18 =	simm.s32 $0x4;
	s19 =	simm.s32 $0x2000;
	s20 =	simm.s32 $0x3000  }
0x8: {  	s21 =	simm.s32 $0x5;
	s22 =	simm.s32 $0x6;
	s23 =	simm.s32 $0x0  }
0x9: {  	s3 =	sand.u32 $0x1, s2;
	s31 =	sshll.u32 s1, $0x9;
	s7 =	sshrl.u32 s1, $0x1  }
0xa: {  	s2 =	simm.s32 $0x0;
	s4 =	sshll.u32 s3, $0x8;
	s9 =	sand.u32 $0x200, s31  }
0xb: {  	s10 =	sshll.u32 s7, $0xE;
	[smem:$0x7FF] =	sst s2;
	s3 =	ssub.s32 $0x2, s3  }
0xc: {  	v0 =	vimm.s32 $0xFFEDCBA9;
	v1 =	vimm.s32 $0x87654321;
	s7 =	sshll.u32 s7, $0xF;
	s9 =	sor.u32 s4, s9;
	s11 =	sshrl.u32 s3, $0x1  }
0xd: {  	v0 =	vunpack.c.l.s4.s8 v0;
	v1 =	vunpack.c.l.s4.s8 v1;
	_ =	strace $0x80000047;
	s4 =	sor.u32 s10, s9;
	s11 =	ssub.s32 s3, s11  }
0xe: {  	s12 =	sor.u32 $0x80, s9;
	s9 =	sor.u32 s7, s9;
	s4 =	sshrl.u32 s4, $0x3  }
0xf: {  	v0 =	vunpack.c.0.s8.s32 v0;
	v1 =	vunpack.c.0.s8.s32 v1;
	s10 =	sor.u32 s10, s12;
	s7 =	sor.u32 s7, s12;
	s9 =	sshrl.u32 s9, $0x3  }
0x10: {  	s3 =	sadd.s32 s5, s4;
	s4 =	sadd.s32 s6, s4;
	s10 =	sshrl.u32 s10, $0x3  }
0x11: {  	v2 =	vcombine.low v1, v0;
	s12 =	sshrl.u32 s7, $0x3;
	s7 =	sadd.s32 s8, s9;
	s9 =	smax.u32 s11, $0x1  }
0x12: {  	vm0 =	vcmask $0x3F3C;
	v1 =	vlaneseq.u32;
	s11 =	simm.s32 $0x400;
	s5 =	sadd.s32 s5, s10;
	s6 =	sadd.s32 s6, s10  }
0x13: {  	v0 =	vimm.s32 $0xFFFFFFFF;
	v1 =	vor.u32 $0x80000000, v1;
	s8 =	sadd.s32 s8, s12;
	s10 =	simm.s32 $0x80;
	s12 =	simm.s32 $0x1000;
	v2 =	vand.u32 $0xF, v2  }
.LBB2_1:
0x14: {  	[tilespmem:s2], [sflag:$0x1] =	stream.strided.gather [hbm4b:s3+s10], $0x800, s11, s10, $0x38;
	[tilespmem:$0x4000] =	vst v63  }
0x15: {  	_ = 	snop  }
0x16: {  	[tilespmem:s12], [sflag:$0x2] =	stream.strided.gather [hbm4b:s4+s10], $0x800, s11, s10, $0x38;
	[tilespmem:$0x4000] =	vst v63  }
0x17: {  	_ = 	snop  }
0x18: {  	[tilespmem:s13], [sflag:$0x3] =	stream.strided.gather [hbm4b:s5+s10], $0x800, s11, s10, $0x38;
	[tilespmem:$0x4000] =	vst v63  }
0x19: {  	s25 =	simm.s32 $0x2040  }
0x1a: {  	[tilespmem:s14], [sflag:$0x4] =	stream.strided.gather [hbm4b:s6+s10], $0x800, s11, s10, $0x38;
	[tilespmem:$0x4000] =	vst v63  }
0x1b: {  	s24 =	simm.s32 $0x3040;
	[tilespmem:s25+$0xFFFFFFC0] =	vst v0  }
0x1c: {  	[tilespmem:s24+$0xFFFFFFC0] =	vst v0  }
0x1d: {  	[tilespmem:s25+$0xFFFFFFD0] =	vst v0  }
0x1e: {  	[tilespmem:s24+$0xFFFFFFD0] =	vst v0  }
0x1f: {  	[tilespmem:s25+$0xFFFFFFE0] =	vst v0  }
0x20: {  	[tilespmem:s24+$0xFFFFFFE0] =	vst v0  }
0x21: {  	[tilespmem:s25+$0xFFFFFFF0] =	vst v0  }
0x22: {  	[tilespmem:s24+$0xFFFFFFF0] =	vst v0  }
0x23: {  	[tilespmem:s25+$0x0] =	vst v0  }
0x24: {  	[tilespmem:s24+$0x0] =	vst v0  }
0x25: {  	[tilespmem:s25+$0x10] =	vst v0  }
0x26: {  	[tilespmem:s24+$0x10] =	vst v0  }
0x27: {  	[tilespmem:s25+$0x20] =	vst v0  }
0x28: {  	[tilespmem:s24+$0x20] =	vst v0  }
0x29: {  	[tilespmem:s25+$0x30] =	vst v0  }
0x2a: {  	s26 =	simm.s32 $0x20C0;
	s25 =	simm.s32 $0x0;
	[tilespmem:s24+$0x30] =	vst v0  }
.LBB2_2:
0x2b: {  	[tilespmem:s26+$0xFFFFFFC0] =	vst v0;
	s24 =	sadd.s32 $0x80, s24  }
0x2c: {  	[tilespmem:s24+$0xFFFFFFC0] =	vst v0  }
0x2d: {  	[tilespmem:s26+$0xFFFFFFD0] =	vst v0  }
0x2e: {  	[tilespmem:s24+$0xFFFFFFD0] =	vst v0  }
0x2f: {  	[tilespmem:s26+$0xFFFFFFE0] =	vst v0  }
0x30: {  	[tilespmem:s24+$0xFFFFFFE0] =	vst v0  }
0x31: {  	[tilespmem:s26+$0xFFFFFFF0] =	vst v0  }
0x32: {  	[tilespmem:s24+$0xFFFFFFF0] =	vst v0  }
0x33: {  	[tilespmem:s26+$0x0] =	vst v0  }
0x34: {  	s25 =	sadd.s32 $0x8, s25;
	[tilespmem:s24+$0x0] =	vst v0  }
0x35: {  	p0 =	slt.u32 s25, $0xF8;
	[tilespmem:s26+$0x10] =	vst v0  }
.Ltmp0:
0x36: {  	[tilespmem:s24+$0x10] =	vst v0;
	(pc) =	sbr.rel @p0 .LBB2_2-.Ltmp0, $4  }
0x37: {  	[tilespmem:s26+$0x20] =	vst v0  }
0x38: {  	[tilespmem:s24+$0x20] =	vst v0  }
0x39: {  	[tilespmem:s26+$0x30] =	vst v0  }
0x3a: {  	s26 =	sadd.s32 $0x80, s26;
	[tilespmem:s24+$0x30] =	vst v0  }
0x3b: {  	_ =	swait.ge [sflag:s15], $0x800  }
0x3c: {  	[sflag:s15] =	ssyncset.done $0x0  }
0x3d: {  	[sflag:s15] =	ssyncadd.s32 $0xFFFFF800  }
0x3e: {  	_ =	swait.ge [sflag:s16], $0x800  }
0x3f: {  	[sflag:s16] =	ssyncset.done $0x0  }
0x40: {  	[sflag:s16] =	ssyncadd.s32 $0xFFFFF800  }
0x41: {  	_ =	swait.ge [sflag:s17], $0x800  }
0x42: {  	[sflag:s17] =	ssyncset.done $0x0  }
0x43: {  	[sflag:s17] =	ssyncadd.s32 $0xFFFFF800  }
0x44: {  	s24 =	simm.s32 $0xFFFFFFFE;
	_ =	swait.ge [sflag:s18], $0x800  }
0x45: {  	s25 =	simm.s32 $0x1810;
	s26 =	simm.s32 $0x810;
	[sflag:s18] =	ssyncset.done $0x0  }
0x46: {  	s28 =	simm.s32 $0x1010;
	s29 =	simm.s32 $0x10;
	[sflag:s18] =	ssyncadd.s32 $0xFFFFF800  }
.LBB2_4:
0x47: {  	v3 =	vld [tilespmem:s29+$0xFFFFFFF0];
	_ =	sdelay $0x1  }
0x48: {  	v4 =	vld [tilespmem:s28+$0xFFFFFFF0];
	_ =	sdelay $0x2  }
0x49: {  	v3 =	vshll.u32 v3, $0x4  }
0x4a: {  	v3 =	vxor.u32 v1, v3  }
0x4b: {  	(xrf1) =	vsort.ascd.msk.u32 $0xffff, v3, v4;
	_ =	sdelay $0xd  }
0x4c: {  	v3, v4, _ =	vpop (xrf1)  }
0x4d: {  	v3 =	vshrl.u32 v3, $0x4  }
0x4e: {  	v5 =	vxor.u32 $0x8000000, v3  }
0x4f: {  	v6 =	vperm.xlane v5, v2;
	_ =	sdelay $0x1  }
0x50: {  	vm1 =	vne.s32 v5, v6  }
0x51: {  	v3 =	vand.u32 $0x7F, v3;
	v5 =	vand.u32 $0xFFFFF80, v5;
	vm1 =	vmor vm1, vm0  }
0x52: {  	v3 =	vor.u32 v3, v5;
	_ =	sdelay $0x4  }
0x53: {  	[tilespmem:v3+s19+$0x0] =	vst.idx.msk vm1, v4  }
0x54: {  	v3 =	vld [tilespmem:s26+$0xFFFFFFF0];
	_ =	sdelay $0x1  }
0x55: {  	v4 =	vld [tilespmem:s25+$0xFFFFFFF0];
	_ =	sdelay $0x2  }
0x56: {  	v3 =	vshll.u32 v3, $0x4  }
0x57: {  	v3 =	vxor.u32 v1, v3  }
0x58: {  	(xrf1) =	vsort.ascd.msk.u32 $0xffff, v3, v4;
	_ =	sdelay $0xd  }
0x59: {  	v3, v4, _ =	vpop (xrf1)  }
0x5a: {  	v3 =	vshrl.u32 v3, $0x4  }
0x5b: {  	v58 =	vxor.u32 $0x8000000, v3  }
0x5c: {  	v59 =	vperm.xlane v58, v2;
	_ =	sdelay $0x1  }
0x5d: {  	vm1 =	vne.s32 v58, v59  }
0x5e: {  	v3 =	vand.u32 $0x7F, v3;
	v5 =	vand.u32 $0xFFFFF80, v58;
	vm1 =	vmor vm1, vm0  }
0x5f: {  	v3 =	vor.u32 v3, v5;
	_ =	sdelay $0x4  }
0x60: {  	[tilespmem:v3+s20+$0x0] =	vst.idx.msk vm1, v4  }
0x61: {  	v3 =	vld [tilespmem:s29+$0x0];
	_ =	sdelay $0x1  }
0x62: {  	v4 =	vld [tilespmem:s28+$0x0];
	_ =	sdelay $0x2  }
0x63: {  	v3 =	vshll.u32 v3, $0x4  }
0x64: {  	v3 =	vxor.u32 v1, v3  }
0x65: {  	(xrf1) =	vsort.ascd.msk.u32 $0xffff, v3, v4;
	_ =	sdelay $0xd  }
0x66: {  	v3, v4, _ =	vpop (xrf1)  }
0x67: {  	v3 =	vshrl.u32 v3, $0x4  }
0x68: {  	v60 =	vxor.u32 $0x8000000, v3  }
0x69: {  	v61 =	vperm.xlane v60, v2;
	_ =	sdelay $0x1  }
0x6a: {  	vm1 =	vne.s32 v60, v61  }
0x6b: {  	v3 =	vand.u32 $0x7F, v3;
	v5 =	vand.u32 $0xFFFFF80, v60;
	vm1 =	vmor vm1, vm0  }
0x6c: {  	v3 =	vor.u32 v3, v5;
	_ =	sdelay $0x4  }
0x6d: {  	[tilespmem:v3+s19+$0x0] =	vst.idx.msk vm1, v4  }
0x6e: {  	v3 =	vld [tilespmem:s26+$0x0];
	_ =	sdelay $0x1  }
0x6f: {  	v4 =	vld [tilespmem:s25+$0x0];
	_ =	sdelay $0x2  }
0x70: {  	v3 =	vshll.u32 v3, $0x4  }
0x71: {  	v3 =	vxor.u32 v1, v3  }
0x72: {  	(xrf1) =	vsort.ascd.msk.u32 $0xffff, v3, v4;
	_ =	sdelay $0xd  }
0x73: {  	v3, v4, _ =	vpop (xrf1)  }
0x74: {  	v3 =	vshrl.u32 v3, $0x4  }
0x75: {  	v62 =	vxor.u32 $0x8000000, v3  }
0x76: {  	v63 =	vperm.xlane v62, v2;
	_ =	sdelay $0x1  }
0x77: {  	vm1 =	vne.s32 v62, v63  }
0x78: {  	s24 =	sadd.s32 $0x2, s24;
	v3 =	vand.u32 $0x7F, v3;
	v5 =	vand.u32 $0xFFFFF80, v62;
	vm1 =	vmor vm1, vm0  }
0x79: {  	p0 =	slt.u32 s24, $0x7E;
	v3 =	vor.u32 v3, v5  }
.Ltmp1:
0x7a: {  	_ = 	snop;
	(pc) =	sbr.rel @p0 .LBB2_4-.Ltmp1, $3  }
0x7b: {  	_ =	sdelay $0x1  }
0x7c: {  	s28 =	sadd.s32 $0x20, s28  }
0x7d: {  	s29 =	sadd.s32 $0x20, s29;
	s25 =	sadd.s32 $0x20, s25;
	s26 =	sadd.s32 $0x20, s26;
	[tilespmem:v3+s20+$0x0] =	vst.idx.msk vm1, v4  }
0x7e: {  	[hbm4b:s7+s10] =	stream.strided.scatter [tilespmem:s19], [sflag:$0x5], $0x1000, s11, s10, $0x38;
	[tilespmem:$0x4000] =	vst v63  }
0x7f: {  	s23 =	sadd.s32 $0x1, s23  }
0x80: {  	[hbm4b:s8+s10] =	stream.strided.scatter [tilespmem:s20], [sflag:$0x6], $0x1000, s11, s10, $0x38;
	[tilespmem:$0x4000] =	vst v63  }
0x81: {  	p0 =	sne.s32 s23, s9;
	_ =	swait.ge [sflag:s21], $0x1000  }
.Ltmp2:
0x82: {  	[sflag:s21] =	ssyncset.done $0x0;
	(pc) =	sbr.rel @p0 .LBB2_1-.Ltmp2, $4  }
0x83: {  	[sflag:s21] =	ssyncadd.s32 $0xFFFFF000  }
0x84: {  	_ =	swait.ge [sflag:s22], $0x1000  }
0x85: {  	[sflag:s22] =	ssyncset.done $0x0  }
0x86: {  	[sflag:s22] =	ssyncadd.s32 $0xFFFFF000  }
0x87: {  	_ =	sfence.sel $0x180000  }
0x88: {  	[bflag:$0x0] =	sbarrier.arrive $0xFFFF  }
0x89: {  	p0 =	sne.s32 s1, $0x0;
	_ =	strace $0x90000047  }
0x8a: {  	s0 =	sadd.s32 @!p0 $0x100000, s0;
	[bflag:$0x2] =	sbarrier.arrive $0xFFFF  }
0x8b: {  	[sflag:s0] =	ssyncadd.tile.s32 @!p0 $0x1;
	_ =	shalt  }
.Lfunc_end2:
_tile_overlayer_lowered:
.L_overlay_start_2:
0x8c: {  	(tag) =	ssettag $0x2  }
0x8d: {  	s0 =	rddreg [dreg:$0x0];
	s2 =	stileid.u32  }
0x8e: {  	s1 =	rddreg [dreg:$0x1];
	p0 =	sne.s32 s2, $0x0  }
0x8f: {  	s3 =	rddreg [dreg:$0x2];
	[bflag:$0x3] =	sbarrier.arrive $0xFFFF;
	s2 =	simm.s32 @!p0 $0x1C07  }
0x90: {  	[timem:s3], [sflag:s2] =	dma.local @!p0 [hbm:s0], s1  }
0x91: {  	s0 =	simm.s32 @!p0 $0x7  }
0x92: {  	_ =	swait.ge @!p0 [sflag:s0], s1  }
0x93: {  	s1 =	ssub.s32 @!p0 $0x0, s1;
	[sflag:s0] =	ssyncset.done @!p0 $0x0  }
0x94: {  	[sflag:s0] =	ssyncadd.s32 @!p0 s1  }
0x95: {  	[bflag:$0x3] =	sbarrier.arrive $0xFFFF  }
0x96: {  	_ =	shalt  }

</sc_bundles>
